<compile_context>
chip_gen: v7x
topology: tpu7x:2x2x1
jax: 0.10.2.dev20260603
libtpu: 0.0.44.dev20260713+nightly
codegen_flags: <defaults>
</compile_context>

<pallas_src>
import functools

import jax
import jax.numpy as jnp
from jax import lax
from jax.experimental import pallas as pl
from jax.experimental.pallas import tpu as pltpu
from jax.experimental.pallas import tpu_sc as plsc

N_NODES = 10000
D_FEAT = 256
HALF = 128
SCALE = 1.8

NC = 2
NS = 16
CHUNK = 128
E_PAD = 163840
ROWS_ALL = E_PAD // CHUNK
ROWS_DEG = ROWS_ALL // (NC * NS)
ROWS_PROP = ROWS_ALL // NS
ACC_SP = 10112
ZROWS = ACC_SP // NS
DEG_W = 16

ROW_BLK = 1000


def _deg_body(dst_hbm, ones_hbm, zeros_hbm, cnt_hbm, idx_v, ones_v, cnt_sh):
    c = lax.axis_index("c")
    s = lax.axis_index("s")
    w = c * NS + s
    pltpu.sync_copy(zeros_hbm, cnt_sh.at[pl.ds(s * ZROWS, ZROWS)])
    pltpu.sync_copy(ones_hbm, ones_v)
    pltpu.sync_copy(dst_hbm.at[pl.ds(w * ROWS_DEG, ROWS_DEG)], idx_v)
    plsc.subcore_barrier()

    def body(j, carry):
        pltpu.sync_copy(ones_v, cnt_sh.at[idx_v.at[j]], add=True)
        return carry

    lax.fori_loop(0, ROWS_DEG, body, 0)
    plsc.subcore_barrier()
    pltpu.sync_copy(
        cnt_sh.at[pl.ds(s * ZROWS, ZROWS)],
        cnt_hbm.at[c, pl.ds(s * ZROWS, ZROWS)],
    )


def _deg_call(*args):
    mesh = plsc.VectorSubcoreMesh(
        core_axis_name="c", subcore_axis_name="s",
        num_cores=NC, num_subcores=NS,
    )
    fn = functools.partial(
        pl.kernel,
        out_type=jax.ShapeDtypeStruct((NC, ACC_SP, DEG_W), jnp.float32),
        mesh=mesh,
        scratch_types=[
            pltpu.VMEM((ROWS_DEG, CHUNK), jnp.int32),
            pltpu.VMEM((CHUNK, DEG_W), jnp.float32),
            pltpu.VMEM_SHARED((ACC_SP, DEG_W), jnp.float32),
        ],
    )(_deg_body)
    return fn(*args)


def _prop_body(g2_hbm, src_hbm, dst_hbm, zeros_hbm, acc_hbm,
               srcv, dstv, rows_v, acc_sh, sem):
    c = lax.axis_index("c")
    s = lax.axis_index("s")
    pltpu.sync_copy(zeros_hbm, acc_sh.at[pl.ds(s * ZROWS, ZROWS)])
    pltpu.sync_copy(src_hbm.at[c, pl.ds(s * ROWS_PROP, ROWS_PROP)], srcv)
    pltpu.sync_copy(dst_hbm.at[pl.ds(s * ROWS_PROP, ROWS_PROP)], dstv)
    plsc.subcore_barrier()

    def body(j, carry):
        pltpu.async_copy(g2_hbm.at[srcv.at[j]], rows_v, sem).wait()
        pltpu.sync_copy(rows_v, acc_sh.at[dstv.at[j]], add=True)
        return carry

    lax.fori_loop(0, ROWS_PROP, body, 0)
    plsc.subcore_barrier()
    pltpu.sync_copy(
        acc_sh.at[pl.ds(s * ZROWS, ZROWS)],
        acc_hbm.at[c, pl.ds(s * ZROWS, ZROWS)],
    )


def _prop_call(*args):
    mesh = plsc.VectorSubcoreMesh(
        core_axis_name="c", subcore_axis_name="s",
        num_cores=NC, num_subcores=NS,
    )
    fn = functools.partial(
        pl.kernel,
        out_type=jax.ShapeDtypeStruct((NC, ACC_SP, HALF), jnp.float32),
        mesh=mesh,
        scratch_types=[
            pltpu.VMEM((ROWS_PROP, CHUNK), jnp.int32),
            pltpu.VMEM((ROWS_PROP, CHUNK), jnp.int32),
            pltpu.VMEM((CHUNK, HALF), jnp.float32),
            pltpu.VMEM_SHARED((ACC_SP, HALF), jnp.float32),
            pltpu.SemaphoreType.DMA,
        ],
    )(_prop_body)
    return fn(*args)


def _dense_body(x_ref, w_ref, b_ref, dinv_ref, g3_ref):
    h = lax.dot_general(
        x_ref[...], w_ref[...], (((1,), (1,)), ((), ())),
        preferred_element_type=jnp.float32,
    )
    h = h + b_ref[...]
    norm = jnp.sqrt(jnp.sum(h * h, axis=1, keepdims=True))
    g = h / jnp.maximum(norm, 1e-12) * SCALE
    g = g * dinv_ref[...]
    g3_ref[...] = g.reshape(ROW_BLK, 2, HALF)


def _dense_call(x, W1, b1r, dinv2):
    grid = N_NODES // ROW_BLK
    return pl.pallas_call(
        _dense_body,
        grid=(grid,),
        in_specs=[
            pl.BlockSpec((ROW_BLK, D_FEAT), lambda i: (i, 0)),
            pl.BlockSpec((D_FEAT, D_FEAT), lambda i: (0, 0)),
            pl.BlockSpec((1, D_FEAT), lambda i: (0, 0)),
            pl.BlockSpec((ROW_BLK, 1), lambda i: (i, 0)),
        ],
        out_specs=pl.BlockSpec((ROW_BLK, 2, HALF), lambda i: (i, 0, 0)),
        out_shape=jax.ShapeDtypeStruct((N_NODES, 2, HALF), jnp.float32),
    )(x, W1, b1r, dinv2)


def _combine_body(acc_ref, g3_ref, dinv_ref, out_ref):
    dinv = dinv_ref[...]
    out_ref[:, :HALF] = (acc_ref[0] + g3_ref[:, 0, :]) * dinv
    out_ref[:, HALF:] = (acc_ref[1] + g3_ref[:, 1, :]) * dinv


def _combine_call(acc, g3, dinv2):
    grid = N_NODES // ROW_BLK
    return pl.pallas_call(
        _combine_body,
        grid=(grid,),
        in_specs=[
            pl.BlockSpec((NC, ROW_BLK, HALF), lambda i: (0, i, 0)),
            pl.BlockSpec((ROW_BLK, 2, HALF), lambda i: (i, 0, 0)),
            pl.BlockSpec((ROW_BLK, 1), lambda i: (i, 0)),
        ],
        out_specs=pl.BlockSpec((ROW_BLK, D_FEAT), lambda i: (i, 0)),
        out_shape=jax.ShapeDtypeStruct((N_NODES, D_FEAT), jnp.float32),
    )(acc, g3, dinv2)


def kernel(x, edge_index, W1, b1):
    n_edges = edge_index.shape[1]
    pad = E_PAD - n_edges
    src = edge_index[0]
    dst = edge_index[1]
    src_p = jnp.concatenate([src, jnp.zeros((pad,), jnp.int32)])
    dst_p = jnp.concatenate([dst, jnp.full((pad,), N_NODES, jnp.int32)])
    dst2d = dst_p.reshape(ROWS_ALL, CHUNK)
    src2 = jnp.stack([src_p * 2, src_p * 2 + 1]).reshape(NC, ROWS_ALL, CHUNK)

    ones_a = jnp.ones((CHUNK, DEG_W), jnp.float32)
    zeros_a = jnp.zeros((ZROWS, DEG_W), jnp.float32)
    zeros_c = jnp.zeros((ZROWS, HALF), jnp.float32)

    cnt = _deg_call(dst2d, ones_a, zeros_a)
    deg = cnt[0, :N_NODES, 0] + cnt[1, :N_NODES, 0] + 1.0
    dinv2 = lax.rsqrt(deg)[:, None]

    g3 = _dense_call(x, W1, b1[None, :], dinv2)
    g2 = g3.reshape(2 * N_NODES, HALF)

    acc = _prop_call(g2, src2, dst2d, zeros_c)
    return _combine_call(acc[:, :N_NODES], g3, dinv2)

# --- scband reference (transcript-rebuilt; emitter-appended) ---
"""Pipeline reference for scband-encoder-2611340116049 (READ-ONLY COPY).

The authoritative reference and input builder live on the scoring server;
editing this copy changes nothing except your own understanding.
"""

import jax, jax.numpy as jnp
import numpy as np

N = 10000
E = 160000
D = 256
SCALING_FACTOR = 1.8


def setup_inputs(seed: int = 0) -> dict:
    key = jax.random.key(seed)
    k1, k2, k3 = jax.random.split(key, 3)
    x = jax.random.normal(k1, (N, D), dtype=jnp.float32)
    edge_index = jax.random.randint(k2, (2, E), 0, N, dtype=jnp.int32)
    # Linear layer params (nn.Linear(in_channels=256, out_channels=256))
    W1 = jax.random.normal(k3, (D, D), dtype=jnp.float32) * (1.0 / np.sqrt(D))
    b1 = jnp.zeros((D,), dtype=jnp.float32)
    return {"x": x, "edge_index": edge_index, "W1": W1, "b1": b1}


def _appnp_k1_alpha0(h, edge_index, num_nodes):
    # APPNP with K=1, alpha=0 reduces to one symmetric-normalized propagation
    # (gcn_norm with added self-loops), since out = (1-alpha)*prop(h) + alpha*h0 = prop(h).
    src = edge_index[0]
    dst = edge_index[1]
    loops = jnp.arange(num_nodes, dtype=src.dtype)
    src = jnp.concatenate([src, loops])
    dst = jnp.concatenate([dst, loops])
    ones = jnp.ones(src.shape, dtype=h.dtype)
    deg = jax.ops.segment_sum(ones, dst, num_segments=num_nodes)
    dinv = jnp.where(deg > 0, jax.lax.rsqrt(deg), 0.0)
    w = dinv[src] * dinv[dst]
    msgs = h[src] * w[:, None]
    return jax.ops.segment_sum(msgs, dst, num_segments=num_nodes)


def reference(x, edge_index, W1, b1):
    # GNAE branch of Encoder.forward:
    # x = linear1(x); x = F.normalize(x, p=2, dim=1) * scaling_factor; x = APPNP(K=1, alpha=0)(x, edge_index)
    h = x @ W1.T + b1
    norm = jnp.sqrt(jnp.sum(h * h, axis=1, keepdims=True))
    h = h / jnp.maximum(norm, 1e-12) * SCALING_FACTOR
    out = _appnp_k1_alpha0(h, edge_index, N)
    return out

if __name__ == "__main__":
    import jax
    _d = setup_inputs()
    print(jax.jit(kernel)(*tuple(_d.values())))

</pallas_src>

<mosaic_0001>
#map = affine_map<(d0, d1) -> (0, 0)>
#map1 = affine_map<(d0, d1) -> (0, 0, 0)>
module attributes {stable_mosaic.version = 14 : i64} {
  func.func @_prop_body(%arg0: i32, %arg1: i32, %arg2: memref<20000x128xf32, #tpu.memory_space<hbm>>, %arg3: memref<2x1280x128xi32, #tpu.memory_space<hbm>>, %arg4: memref<1280x128xi32, #tpu.memory_space<hbm>>, %arg5: memref<632x128xf32, #tpu.memory_space<hbm>>, %arg6: memref<2x10112x128xf32, #tpu.memory_space<hbm>>, %arg7: memref<80x128xi32, #tpu.memory_space<vmem>>, %arg8: memref<80x128xi32, #tpu.memory_space<vmem>>, %arg9: memref<128x128xf32, #tpu.memory_space<vmem>>, %arg10: memref<10112x128xf32, #tpu.memory_space<vmem_shared>>, %arg11: memref<!tpu.dma_semaphore, #tpu.memory_space<semaphore_mem>>) attributes {dimension_semantics = [#tpu.dimension_semantics<core_parallel>, #tpu.dimension_semantics<subcore_parallel>], iteration_bounds = array<i64: 2, 16>, scalar_prefetch = 0 : i64, scratch_operands = 5 : i64, tpu.core_type = #tpu.core_type<sc_vector_subcore>, window_params = [{transform_indices = #map}, {transform_indices = #map1}, {transform_indices = #map}, {transform_indices = #map}, {transform_indices = #map1}]} {
    %mul3A = arith.constant 632 : i32
    %mul3A_0 = arith.muli %arg1, %mul3A : i32
    "tpu.region"() ({
      %run_scoped3A = tpu.sem_alloc : memref<!tpu.dma_semaphore, #tpu.memory_space<semaphore_mem>>
      %dma_start3A = arith.constant 0 : i32
      %dma_start3A_15 = tpu.memref_slice %arg10[%mul3A_0, %dma_start3A] : memref<10112x128xf32, #tpu.memory_space<vmem_shared>> -> memref<632x128xf32, #tpu.memory_space<vmem_shared>>
      tpu.enqueue_dma source(%arg5 : memref<632x128xf32, #tpu.memory_space<hbm>>) target(%dma_start3A_15 : memref<632x128xf32, #tpu.memory_space<vmem_shared>>) target_semaphore(%run_scoped3A : memref<!tpu.dma_semaphore, #tpu.memory_space<semaphore_mem>>)
      %dma_wait3A = arith.constant 0 : i32
      %dma_wait3A_16 = tpu.memref_slice %arg10[%mul3A_0, %dma_wait3A] : memref<10112x128xf32, #tpu.memory_space<vmem_shared>> -> memref<632x128xf32, #tpu.memory_space<vmem_shared>>
      tpu.wait_dma2 semaphore(%run_scoped3A : memref<!tpu.dma_semaphore, #tpu.memory_space<semaphore_mem>>) src(%arg5 : memref<632x128xf32, #tpu.memory_space<hbm>>) dst(%dma_wait3A_16 : memref<632x128xf32, #tpu.memory_space<vmem_shared>>)
      tpu.yield
    }) : () -> ()
    %mul3A_1 = arith.constant 80 : i32
    %mul3A_2 = arith.muli %arg1, %mul3A_1 : i32
    "tpu.region"() ({
      %run_scoped3A = tpu.sem_alloc : memref<!tpu.dma_semaphore, #tpu.memory_space<semaphore_mem>>
      %dma_start3A = arith.constant 0 : i32
      %dma_start3A_15 = tpu.memref_slice %arg3[%arg0, %mul3A_2, %dma_start3A] : memref<2x1280x128xi32, #tpu.memory_space<hbm>> -> memref<1x80x128xi32, #tpu.memory_space<hbm>>
      %dma_start3A_16 = tpu.memref_squeeze %dma_start3A_15 : memref<1x80x128xi32, #tpu.memory_space<hbm>> -> memref<80x128xi32, #tpu.memory_space<hbm>>
      %dma_start3A_17 = arith.constant 0 : i32
      %dma_start3A_18 = tpu.memref_slice %arg3[%arg0, %mul3A_2, %dma_start3A_17] : memref<2x1280x128xi32, #tpu.memory_space<hbm>> -> memref<1x80x128xi32, #tpu.memory_space<hbm>>
      %dma_start3A_19 = tpu.memref_squeeze %dma_start3A_18 : memref<1x80x128xi32, #tpu.memory_space<hbm>> -> memref<80x128xi32, #tpu.memory_space<hbm>>
      tpu.enqueue_dma source(%dma_start3A_19 : memref<80x128xi32, #tpu.memory_space<hbm>>) target(%arg7 : memref<80x128xi32, #tpu.memory_space<vmem>>) target_semaphore(%run_scoped3A : memref<!tpu.dma_semaphore, #tpu.memory_space<semaphore_mem>>)
      %dma_wait3A = arith.constant 0 : i32
      %dma_wait3A_20 = tpu.memref_slice %arg3[%arg0, %mul3A_2, %dma_wait3A] : memref<2x1280x128xi32, #tpu.memory_space<hbm>> -> memref<1x80x128xi32, #tpu.memory_space<hbm>>
      %dma_wait3A_21 = tpu.memref_squeeze %dma_wait3A_20 : memref<1x80x128xi32, #tpu.memory_space<hbm>> -> memref<80x128xi32, #tpu.memory_space<hbm>>
      %dma_wait3A_22 = arith.constant 0 : i32
      %dma_wait3A_23 = tpu.memref_slice %arg3[%arg0, %mul3A_2, %dma_wait3A_22] : memref<2x1280x128xi32, #tpu.memory_space<hbm>> -> memref<1x80x128xi32, #tpu.memory_space<hbm>>
      %dma_wait3A_24 = tpu.memref_squeeze %dma_wait3A_23 : memref<1x80x128xi32, #tpu.memory_space<hbm>> -> memref<80x128xi32, #tpu.memory_space<hbm>>
      tpu.wait_dma2 semaphore(%run_scoped3A : memref<!tpu.dma_semaphore, #tpu.memory_space<semaphore_mem>>) src(%dma_wait3A_24 : memref<80x128xi32, #tpu.memory_space<hbm>>) dst(%arg7 : memref<80x128xi32, #tpu.memory_space<vmem>>)
      tpu.yield
    }) : () -> ()
    %mul3A_3 = arith.constant 80 : i32
    %mul3A_4 = arith.muli %arg1, %mul3A_3 : i32
    "tpu.region"() ({
      %run_scoped3A = tpu.sem_alloc : memref<!tpu.dma_semaphore, #tpu.memory_space<semaphore_mem>>
      %dma_start3A = arith.constant 0 : i32
      %dma_start3A_15 = tpu.memref_slice %arg4[%mul3A_4, %dma_start3A] : memref<1280x128xi32, #tpu.memory_space<hbm>> -> memref<80x128xi32, #tpu.memory_space<hbm>>
      %dma_start3A_16 = arith.constant 0 : i32
      %dma_start3A_17 = tpu.memref_slice %arg4[%mul3A_4, %dma_start3A_16] : memref<1280x128xi32, #tpu.memory_space<hbm>> -> memref<80x128xi32, #tpu.memory_space<hbm>>
      tpu.enqueue_dma source(%dma_start3A_17 : memref<80x128xi32, #tpu.memory_space<hbm>>) target(%arg8 : memref<80x128xi32, #tpu.memory_space<vmem>>) target_semaphore(%run_scoped3A : memref<!tpu.dma_semaphore, #tpu.memory_space<semaphore_mem>>)
      %dma_wait3A = arith.constant 0 : i32
      %dma_wait3A_18 = tpu.memref_slice %arg4[%mul3A_4, %dma_wait3A] : memref<1280x128xi32, #tpu.memory_space<hbm>> -> memref<80x128xi32, #tpu.memory_space<hbm>>
      %dma_wait3A_19 = arith.constant 0 : i32
      %dma_wait3A_20 = tpu.memref_slice %arg4[%mul3A_4, %dma_wait3A_19] : memref<1280x128xi32, #tpu.memory_space<hbm>> -> memref<80x128xi32, #tpu.memory_space<hbm>>
      tpu.wait_dma2 semaphore(%run_scoped3A : memref<!tpu.dma_semaphore, #tpu.memory_space<semaphore_mem>>) src(%dma_wait3A_20 : memref<80x128xi32, #tpu.memory_space<hbm>>) dst(%arg8 : memref<80x128xi32, #tpu.memory_space<vmem>>)
      tpu.yield
    }) : () -> ()
    %barrier3A = arith.constant 0 : index
    tpu.barrier barrier_id(%barrier3A)
    %scan3A = arith.constant 0 : i32
    %scan3A_5 = arith.constant 0 : i32
    %scan3A_6 = arith.constant 80 : i32
    %scan3A_7 = arith.addi %scan3A_5, %scan3A_6 : i32
    %scan3A_8 = arith.constant 1 : i32
    scf.for %scan3A_15 = %scan3A_5 to %scan3A_7 step %scan3A_8  : i32 {
      %dma_start3A = arith.constant 0 : i32
      %dma_start3A_16 = tpu.memref_slice %arg7[%scan3A_15, %dma_start3A] : memref<80x128xi32, #tpu.memory_space<vmem>> -> memref<1x128xi32, #tpu.memory_space<vmem>>
      %dma_start3A_17 = tpu.memref_squeeze %dma_start3A_16 : memref<1x128xi32, #tpu.memory_space<vmem>> -> memref<128xi32, #tpu.memory_space<vmem>>
      %dma_start3A_18 = arith.constant 0 : i32
      %dma_start3A_19 = arith.constant 0 : i32
      %dma_start3A_20 = tpu.memref_slice %arg2[%dma_start3A_18, %dma_start3A_19] : memref<20000x128xf32, #tpu.memory_space<hbm>> -> memref<20000x128xf32, #tpu.memory_space<hbm>>
      tpu.enqueue_indirect_dma source(%dma_start3A_20 : memref<20000x128xf32, #tpu.memory_space<hbm>>) target(%arg9 : memref<128x128xf32, #tpu.memory_space<vmem>>) offsets(%dma_start3A_17 : memref<128xi32, #tpu.memory_space<vmem>>) semaphore(%arg11 : memref<!tpu.dma_semaphore, #tpu.memory_space<semaphore_mem>>)
      %dma_wait3A = arith.constant 0 : i32
      %dma_wait3A_21 = tpu.memref_slice %arg7[%scan3A_15, %dma_wait3A] : memref<80x128xi32, #tpu.memory_space<vmem>> -> memref<1x128xi32, #tpu.memory_space<vmem>>
      %dma_wait3A_22 = tpu.memref_squeeze %dma_wait3A_21 : memref<1x128xi32, #tpu.memory_space<vmem>> -> memref<128xi32, #tpu.memory_space<vmem>>
      %dma_wait3A_23 = arith.constant 0 : i32
      %dma_wait3A_24 = arith.constant 0 : i32
      %dma_wait3A_25 = tpu.memref_slice %arg2[%dma_wait3A_23, %dma_wait3A_24] : memref<20000x128xf32, #tpu.memory_space<hbm>> -> memref<20000x128xf32, #tpu.memory_space<hbm>>
      tpu.wait_indirect_dma semaphore(%arg11 : memref<!tpu.dma_semaphore, #tpu.memory_space<semaphore_mem>>) src(%dma_wait3A_25 : memref<20000x128xf32, #tpu.memory_space<hbm>>) dst(%arg9 : memref<128x128xf32, #tpu.memory_space<vmem>>)
      "tpu.region"() ({
        %run_scoped3A = tpu.sem_alloc : memref<!tpu.dma_semaphore, #tpu.memory_space<semaphore_mem>>
        %dma_start3A_26 = arith.constant 0 : i32
        %dma_start3A_27 = tpu.memref_slice %arg8[%scan3A_15, %dma_start3A_26] : memref<80x128xi32, #tpu.memory_space<vmem>> -> memref<1x128xi32, #tpu.memory_space<vmem>>
        %dma_start3A_28 = tpu.memref_squeeze %dma_start3A_27 : memref<1x128xi32, #tpu.memory_space<vmem>> -> memref<128xi32, #tpu.memory_space<vmem>>
        %dma_start3A_29 = arith.constant 0 : i32
        %dma_start3A_30 = arith.constant 0 : i32
        %dma_start3A_31 = tpu.memref_slice %arg10[%dma_start3A_29, %dma_start3A_30] : memref<10112x128xf32, #tpu.memory_space<vmem_shared>> -> memref<10112x128xf32, #tpu.memory_space<vmem_shared>>
        tpu.enqueue_indirect_dma source(%arg9 : memref<128x128xf32, #tpu.memory_space<vmem>>) target(%dma_start3A_31 : memref<10112x128xf32, #tpu.memory_space<vmem_shared>>) offsets(%dma_start3A_28 : memref<128xi32, #tpu.memory_space<vmem>>) semaphore(%run_scoped3A : memref<!tpu.dma_semaphore, #tpu.memory_space<semaphore_mem>>) {add = true}
        %dma_wait3A_32 = arith.constant 0 : i32
        %dma_wait3A_33 = tpu.memref_slice %arg8[%scan3A_15, %dma_wait3A_32] : memref<80x128xi32, #tpu.memory_space<vmem>> -> memref<1x128xi32, #tpu.memory_space<vmem>>
        %dma_wait3A_34 = tpu.memref_squeeze %dma_wait3A_33 : memref<1x128xi32, #tpu.memory_space<vmem>> -> memref<128xi32, #tpu.memory_space<vmem>>
        %dma_wait3A_35 = arith.constant 0 : i32
        %dma_wait3A_36 = arith.constant 0 : i32
        %dma_wait3A_37 = tpu.memref_slice %arg10[%dma_wait3A_35, %dma_wait3A_36] : memref<10112x128xf32, #tpu.memory_space<vmem_shared>> -> memref<10112x128xf32, #tpu.memory_space<vmem_shared>>
        tpu.wait_indirect_dma semaphore(%run_scoped3A : memref<!tpu.dma_semaphore, #tpu.memory_space<semaphore_mem>>) src(%arg9 : memref<128x128xf32, #tpu.memory_space<vmem>>) dst(%dma_wait3A_37 : memref<10112x128xf32, #tpu.memory_space<vmem_shared>>)
        tpu.yield
      }) : () -> ()
    }
    %scan3A_9 = arith.constant 80 : i32
    %barrier3A_10 = arith.constant 0 : index
    tpu.barrier barrier_id(%barrier3A_10)
    %mul3A_11 = arith.constant 632 : i32
    %mul3A_12 = arith.muli %arg1, %mul3A_11 : i32
    %mul3A_13 = arith.constant 632 : i32
    %mul3A_14 = arith.muli %arg1, %mul3A_13 : i32
    "tpu.region"() ({
      %run_scoped3A = tpu.sem_alloc : memref<!tpu.dma_semaphore, #tpu.memory_space<semaphore_mem>>
      %dma_start3A = arith.constant 0 : i32
      %dma_start3A_15 = tpu.memref_slice %arg6[%arg0, %mul3A_14, %dma_start3A] : memref<2x10112x128xf32, #tpu.memory_space<hbm>> -> memref<1x632x128xf32, #tpu.memory_space<hbm>>
      %dma_start3A_16 = tpu.memref_squeeze %dma_start3A_15 : memref<1x632x128xf32, #tpu.memory_space<hbm>> -> memref<632x128xf32, #tpu.memory_space<hbm>>
      %dma_start3A_17 = arith.constant 0 : i32
      %dma_start3A_18 = tpu.memref_slice %arg10[%mul3A_12, %dma_start3A_17] : memref<10112x128xf32, #tpu.memory_space<vmem_shared>> -> memref<632x128xf32, #tpu.memory_space<vmem_shared>>
      tpu.enqueue_dma source(%dma_start3A_18 : memref<632x128xf32, #tpu.memory_space<vmem_shared>>) target(%dma_start3A_16 : memref<632x128xf32, #tpu.memory_space<hbm>>) target_semaphore(%run_scoped3A : memref<!tpu.dma_semaphore, #tpu.memory_space<semaphore_mem>>)
      %dma_wait3A = arith.constant 0 : i32
      %dma_wait3A_19 = tpu.memref_slice %arg6[%arg0, %mul3A_14, %dma_wait3A] : memref<2x10112x128xf32, #tpu.memory_space<hbm>> -> memref<1x632x128xf32, #tpu.memory_space<hbm>>
      %dma_wait3A_20 = tpu.memref_squeeze %dma_wait3A_19 : memref<1x632x128xf32, #tpu.memory_space<hbm>> -> memref<632x128xf32, #tpu.memory_space<hbm>>
      %dma_wait3A_21 = arith.constant 0 : i32
      %dma_wait3A_22 = tpu.memref_slice %arg10[%mul3A_12, %dma_wait3A_21] : memref<10112x128xf32, #tpu.memory_space<vmem_shared>> -> memref<632x128xf32, #tpu.memory_space<vmem_shared>>
      tpu.wait_dma2 semaphore(%run_scoped3A : memref<!tpu.dma_semaphore, #tpu.memory_space<semaphore_mem>>) src(%dma_wait3A_22 : memref<632x128xf32, #tpu.memory_space<vmem_shared>>) dst(%dma_wait3A_20 : memref<632x128xf32, #tpu.memory_space<hbm>>)
      tpu.yield
    }) : () -> ()
    return
  }
}

#map = affine_map<(d0, d1) -> (0, 0)>
#map1 = affine_map<(d0, d1) -> (0, 0, 0)>
module attributes {stable_mosaic.version = 14 : i64} {
  func.func @_deg_body(%arg0: i32, %arg1: i32, %arg2: memref<1280x128xi32, #tpu.memory_space<hbm>>, %arg3: memref<128x16xf32, #tpu.memory_space<hbm>>, %arg4: memref<632x16xf32, #tpu.memory_space<hbm>>, %arg5: memref<2x10112x16xf32, #tpu.memory_space<hbm>>, %arg6: memref<40x128xi32, #tpu.memory_space<vmem>>, %arg7: memref<128x16xf32, #tpu.memory_space<vmem>>, %arg8: memref<10112x16xf32, #tpu.memory_space<vmem_shared>>) attributes {dimension_semantics = [#tpu.dimension_semantics<core_parallel>, #tpu.dimension_semantics<subcore_parallel>], iteration_bounds = array<i64: 2, 16>, scalar_prefetch = 0 : i64, scratch_operands = 3 : i64, tpu.core_type = #tpu.core_type<sc_vector_subcore>, window_params = [{transform_indices = #map}, {transform_indices = #map}, {transform_indices = #map}, {transform_indices = #map1}]} {
    %mul3A = arith.constant 16 : i32
    %mul3A_0 = arith.muli %arg0, %mul3A : i32
    %add3A = arith.addi %mul3A_0, %arg1 : i32
    %mul3A_1 = arith.constant 632 : i32
    %mul3A_2 = arith.muli %arg1, %mul3A_1 : i32
    "tpu.region"() ({
      %run_scoped3A = tpu.sem_alloc : memref<!tpu.dma_semaphore, #tpu.memory_space<semaphore_mem>>
      %dma_start3A = arith.constant 0 : i32
      %dma_start3A_15 = tpu.memref_slice %arg8[%mul3A_2, %dma_start3A] : memref<10112x16xf32, #tpu.memory_space<vmem_shared>> -> memref<632x16xf32, #tpu.memory_space<vmem_shared>>
      tpu.enqueue_dma source(%arg4 : memref<632x16xf32, #tpu.memory_space<hbm>>) target(%dma_start3A_15 : memref<632x16xf32, #tpu.memory_space<vmem_shared>>) target_semaphore(%run_scoped3A : memref<!tpu.dma_semaphore, #tpu.memory_space<semaphore_mem>>)
      %dma_wait3A = arith.constant 0 : i32
      %dma_wait3A_16 = tpu.memref_slice %arg8[%mul3A_2, %dma_wait3A] : memref<10112x16xf32, #tpu.memory_space<vmem_shared>> -> memref<632x16xf32, #tpu.memory_space<vmem_shared>>
      tpu.wait_dma2 semaphore(%run_scoped3A : memref<!tpu.dma_semaphore, #tpu.memory_space<semaphore_mem>>) src(%arg4 : memref<632x16xf32, #tpu.memory_space<hbm>>) dst(%dma_wait3A_16 : memref<632x16xf32, #tpu.memory_space<vmem_shared>>)
      tpu.yield
    }) : () -> ()
    "tpu.region"() ({
      %run_scoped3A = tpu.sem_alloc : memref<!tpu.dma_semaphore, #tpu.memory_space<semaphore_mem>>
      tpu.enqueue_dma source(%arg3 : memref<128x16xf32, #tpu.memory_space<hbm>>) target(%arg7 : memref<128x16xf32, #tpu.memory_space<vmem>>) target_semaphore(%run_scoped3A : memref<!tpu.dma_semaphore, #tpu.memory_space<semaphore_mem>>)
      tpu.wait_dma2 semaphore(%run_scoped3A : memref<!tpu.dma_semaphore, #tpu.memory_space<semaphore_mem>>) src(%arg3 : memref<128x16xf32, #tpu.memory_space<hbm>>) dst(%arg7 : memref<128x16xf32, #tpu.memory_space<vmem>>)
      tpu.yield
    }) : () -> ()
    %mul3A_3 = arith.constant 40 : i32
    %mul3A_4 = arith.muli %add3A, %mul3A_3 : i32
    "tpu.region"() ({
      %run_scoped3A = tpu.sem_alloc : memref<!tpu.dma_semaphore, #tpu.memory_space<semaphore_mem>>
      %dma_start3A = arith.constant 0 : i32
      %dma_start3A_15 = tpu.memref_slice %arg2[%mul3A_4, %dma_start3A] : memref<1280x128xi32, #tpu.memory_space<hbm>> -> memref<40x128xi32, #tpu.memory_space<hbm>>
      %dma_start3A_16 = arith.constant 0 : i32
      %dma_start3A_17 = tpu.memref_slice %arg2[%mul3A_4, %dma_start3A_16] : memref<1280x128xi32, #tpu.memory_space<hbm>> -> memref<40x128xi32, #tpu.memory_space<hbm>>
      tpu.enqueue_dma source(%dma_start3A_17 : memref<40x128xi32, #tpu.memory_space<hbm>>) target(%arg6 : memref<40x128xi32, #tpu.memory_space<vmem>>) target_semaphore(%run_scoped3A : memref<!tpu.dma_semaphore, #tpu.memory_space<semaphore_mem>>)
      %dma_wait3A = arith.constant 0 : i32
      %dma_wait3A_18 = tpu.memref_slice %arg2[%mul3A_4, %dma_wait3A] : memref<1280x128xi32, #tpu.memory_space<hbm>> -> memref<40x128xi32, #tpu.memory_space<hbm>>
      %dma_wait3A_19 = arith.constant 0 : i32
      %dma_wait3A_20 = tpu.memref_slice %arg2[%mul3A_4, %dma_wait3A_19] : memref<1280x128xi32, #tpu.memory_space<hbm>> -> memref<40x128xi32, #tpu.memory_space<hbm>>
      tpu.wait_dma2 semaphore(%run_scoped3A : memref<!tpu.dma_semaphore, #tpu.memory_space<semaphore_mem>>) src(%dma_wait3A_20 : memref<40x128xi32, #tpu.memory_space<hbm>>) dst(%arg6 : memref<40x128xi32, #tpu.memory_space<vmem>>)
      tpu.yield
    }) : () -> ()
    %barrier3A = arith.constant 0 : index
    tpu.barrier barrier_id(%barrier3A)
    %scan3A = arith.constant 0 : i32
    %scan3A_5 = arith.constant 0 : i32
    %scan3A_6 = arith.constant 40 : i32
    %scan3A_7 = arith.addi %scan3A_5, %scan3A_6 : i32
    %scan3A_8 = arith.constant 1 : i32
    scf.for %scan3A_15 = %scan3A_5 to %scan3A_7 step %scan3A_8  : i32 {
      "tpu.region"() ({
        %run_scoped3A = tpu.sem_alloc : memref<!tpu.dma_semaphore, #tpu.memory_space<semaphore_mem>>
        %dma_start3A = arith.constant 0 : i32
        %dma_start3A_16 = tpu.memref_slice %arg6[%scan3A_15, %dma_start3A] : memref<40x128xi32, #tpu.memory_space<vmem>> -> memref<1x128xi32, #tpu.memory_space<vmem>>
        %dma_start3A_17 = tpu.memref_squeeze %dma_start3A_16 : memref<1x128xi32, #tpu.memory_space<vmem>> -> memref<128xi32, #tpu.memory_space<vmem>>
        %dma_start3A_18 = arith.constant 0 : i32
        %dma_start3A_19 = arith.constant 0 : i32
        %dma_start3A_20 = tpu.memref_slice %arg8[%dma_start3A_18, %dma_start3A_19] : memref<10112x16xf32, #tpu.memory_space<vmem_shared>> -> memref<10112x16xf32, #tpu.memory_space<vmem_shared>>
        tpu.enqueue_indirect_dma source(%arg7 : memref<128x16xf32, #tpu.memory_space<vmem>>) target(%dma_start3A_20 : memref<10112x16xf32, #tpu.memory_space<vmem_shared>>) offsets(%dma_start3A_17 : memref<128xi32, #tpu.memory_space<vmem>>) semaphore(%run_scoped3A : memref<!tpu.dma_semaphore, #tpu.memory_space<semaphore_mem>>) {add = true}
        %dma_wait3A = arith.constant 0 : i32
        %dma_wait3A_21 = tpu.memref_slice %arg6[%scan3A_15, %dma_wait3A] : memref<40x128xi32, #tpu.memory_space<vmem>> -> memref<1x128xi32, #tpu.memory_space<vmem>>
        %dma_wait3A_22 = tpu.memref_squeeze %dma_wait3A_21 : memref<1x128xi32, #tpu.memory_space<vmem>> -> memref<128xi32, #tpu.memory_space<vmem>>
        %dma_wait3A_23 = arith.constant 0 : i32
        %dma_wait3A_24 = arith.constant 0 : i32
        %dma_wait3A_25 = tpu.memref_slice %arg8[%dma_wait3A_23, %dma_wait3A_24] : memref<10112x16xf32, #tpu.memory_space<vmem_shared>> -> memref<10112x16xf32, #tpu.memory_space<vmem_shared>>
        tpu.wait_indirect_dma semaphore(%run_scoped3A : memref<!tpu.dma_semaphore, #tpu.memory_space<semaphore_mem>>) src(%arg7 : memref<128x16xf32, #tpu.memory_space<vmem>>) dst(%dma_wait3A_25 : memref<10112x16xf32, #tpu.memory_space<vmem_shared>>)
        tpu.yield
      }) : () -> ()
    }
    %scan3A_9 = arith.constant 40 : i32
    %barrier3A_10 = arith.constant 0 : index
    tpu.barrier barrier_id(%barrier3A_10)
    %mul3A_11 = arith.constant 632 : i32
    %mul3A_12 = arith.muli %arg1, %mul3A_11 : i32
    %mul3A_13 = arith.constant 632 : i32
    %mul3A_14 = arith.muli %arg1, %mul3A_13 : i32
    "tpu.region"() ({
      %run_scoped3A = tpu.sem_alloc : memref<!tpu.dma_semaphore, #tpu.memory_space<semaphore_mem>>
      %dma_start3A = arith.constant 0 : i32
      %dma_start3A_15 = tpu.memref_slice %arg5[%arg0, %mul3A_14, %dma_start3A] : memref<2x10112x16xf32, #tpu.memory_space<hbm>> -> memref<1x632x16xf32, #tpu.memory_space<hbm>>
      %dma_start3A_16 = tpu.memref_squeeze %dma_start3A_15 : memref<1x632x16xf32, #tpu.memory_space<hbm>> -> memref<632x16xf32, #tpu.memory_space<hbm>>
      %dma_start3A_17 = arith.constant 0 : i32
      %dma_start3A_18 = tpu.memref_slice %arg8[%mul3A_12, %dma_start3A_17] : memref<10112x16xf32, #tpu.memory_space<vmem_shared>> -> memref<632x16xf32, #tpu.memory_space<vmem_shared>>
      tpu.enqueue_dma source(%dma_start3A_18 : memref<632x16xf32, #tpu.memory_space<vmem_shared>>) target(%dma_start3A_16 : memref<632x16xf32, #tpu.memory_space<hbm>>) target_semaphore(%run_scoped3A : memref<!tpu.dma_semaphore, #tpu.memory_space<semaphore_mem>>)
      %dma_wait3A = arith.constant 0 : i32
      %dma_wait3A_19 = tpu.memref_slice %arg5[%arg0, %mul3A_14, %dma_wait3A] : memref<2x10112x16xf32, #tpu.memory_space<hbm>> -> memref<1x632x16xf32, #tpu.memory_space<hbm>>
      %dma_wait3A_20 = tpu.memref_squeeze %dma_wait3A_19 : memref<1x632x16xf32, #tpu.memory_space<hbm>> -> memref<632x16xf32, #tpu.memory_space<hbm>>
      %dma_wait3A_21 = arith.constant 0 : i32
      %dma_wait3A_22 = tpu.memref_slice %arg8[%mul3A_12, %dma_wait3A_21] : memref<10112x16xf32, #tpu.memory_space<vmem_shared>> -> memref<632x16xf32, #tpu.memory_space<vmem_shared>>
      tpu.wait_dma2 semaphore(%run_scoped3A : memref<!tpu.dma_semaphore, #tpu.memory_space<semaphore_mem>>) src(%dma_wait3A_22 : memref<632x16xf32, #tpu.memory_space<vmem_shared>>) dst(%dma_wait3A_20 : memref<632x16xf32, #tpu.memory_space<hbm>>)
      tpu.yield
    }) : () -> ()
    return
  }
}

module attributes {stable_mosaic.version = 14 : i64} {
  func.func @_dense_body(%arg0: i32, %arg1: memref<1000x256xf32, #tpu.memory_space<vmem>>, %arg2: memref<256x256xf32, #tpu.memory_space<vmem>>, %arg3: memref<1x256xf32, #tpu.memory_space<vmem>>, %arg4: memref<1000x1xf32, #tpu.memory_space<vmem>>, %arg5: memref<1000x2x128xf32, #tpu.memory_space<vmem>>) attributes {dimension_semantics = [#tpu.dimension_semantics<arbitrary>], iteration_bounds = array<i64: 10>, scalar_prefetch = 0 : i64, scratch_operands = 0 : i64, tpu.core_type = #tpu.core_type<tc>, window_params = [{transform_indices = @transform_0, window_bounds = array<i64: 1000, 256>}, {pipeline_mode = #tpu.pipeline_mode<synchronous>, transform_indices = @transform_1, window_bounds = array<i64: 256, 256>}, {pipeline_mode = #tpu.pipeline_mode<synchronous>, transform_indices = @transform_2, window_bounds = array<i64: 1, 256>}, {transform_indices = @transform_3, window_bounds = array<i64: 1000, 1>}, {transform_indices = @transform_4, window_bounds = array<i64: 1000, 2, 128>}]} {
    %get3A = arith.constant 0 : index
    %get3A_0 = arith.constant 0 : index
    %get3A_1 = vector.load %arg1[%get3A, %get3A_0] : memref<1000x256xf32, #tpu.memory_space<vmem>>, vector<1000x256xf32>
    %get3A_2 = arith.constant 0 : index
    %get3A_3 = arith.constant 0 : index
    %get3A_4 = vector.load %arg2[%get3A_2, %get3A_3] : memref<256x256xf32, #tpu.memory_space<vmem>>, vector<256x256xf32>
    %dot_general3A = arith.constant dense<0.000000e+00> : vector<1000x256xf32>
    %dot_general3A_5 = tpu.matmul %get3A_1, %get3A_4, %dot_general3A {dimension_numbers = #tpu.dot_dimension_numbers<[1], [1], [0], [0], [0, 0, 1, 0], [], []>, transpose_lhs_hint = false} : vector<1000x256xf32>, vector<256x256xf32>, vector<1000x256xf32> -> vector<1000x256xf32>
    %get3A_6 = arith.constant 0 : index
    %get3A_7 = arith.constant 0 : index
    %get3A_8 = vector.load %arg3[%get3A_6, %get3A_7] : memref<1x256xf32, #tpu.memory_space<vmem>>, vector<1x256xf32>
    %add3A = vector.broadcast %get3A_8 : vector<1x256xf32> to vector<1000x256xf32>
    %add3A_9 = arith.addf %dot_general3A_5, %add3A : vector<1000x256xf32>
    %mul3A = arith.mulf %add3A_9, %add3A_9 : vector<1000x256xf32>
    %reduce_sum3A = arith.constant dense<0.000000e+00> : vector<1000xf32>
    %reduce_sum3A_10 = vector.multi_reduction <add>, %mul3A, %reduce_sum3A [1] : vector<1000x256xf32> to vector<1000xf32>
    %broadcast_in_dim3A = vector.shape_cast %reduce_sum3A_10 : vector<1000xf32> to vector<1000x1xf32>
    %sqrt3A = math.sqrt %broadcast_in_dim3A : vector<1000x1xf32>
    %max3A = arith.constant 9.99999996E-13 : f32
    %max3A_11 = vector.broadcast %max3A : f32 to vector<1000x1xf32>
    %max3A_12 = arith.maximumf %sqrt3A, %max3A_11 : vector<1000x1xf32>
    %div3A = vector.broadcast %max3A_12 : vector<1000x1xf32> to vector<1000x256xf32>
    %div3A_13 = arith.divf %add3A_9, %div3A : vector<1000x256xf32>
    %mul3A_14 = arith.constant 1.800000e+00 : f32
    %mul3A_15 = vector.broadcast %mul3A_14 : f32 to vector<1000x256xf32>
    %mul3A_16 = arith.mulf %div3A_13, %mul3A_15 : vector<1000x256xf32>
    %get3A_17 = arith.constant 0 : index
    %get3A_18 = arith.constant 0 : index
    %get3A_19 = vector.load %arg4[%get3A_17, %get3A_18] : memref<1000x1xf32, #tpu.memory_space<vmem>>, vector<1000x1xf32>
    %mul3A_20 = vector.broadcast %get3A_19 : vector<1000x1xf32> to vector<1000x256xf32>
    %mul3A_21 = arith.mulf %mul3A_16, %mul3A_20 : vector<1000x256xf32>
    %reshape3A = vector.shape_cast %mul3A_21 : vector<1000x256xf32> to vector<1000x2x128xf32>
    %swap3A = arith.constant 0 : index
    %swap3A_22 = arith.constant 0 : index
    %swap3A_23 = arith.constant 0 : index
    %swap3A_24 = vector.load %arg5[%swap3A, %swap3A_22, %swap3A_23] : memref<1000x2x128xf32, #tpu.memory_space<vmem>>, vector<1000x2x128xf32>
    tpu.vector_store %arg5[%swap3A, %swap3A_22, %swap3A_23], %reshape3A {strides = array<i32>} : memref<1000x2x128xf32, #tpu.memory_space<vmem>>, vector<1000x2x128xf32>,
    return
  }
  func.func @transform_0(%arg0: i32) -> (i32, i32) {
    %c0_i32 = arith.constant 0 : i32
    %c0_i32_0 = arith.constant 0 : i32
    return %arg0, %c0_i32 : i32, i32
  }
  func.func @transform_1(%arg0: i32) -> (i32, i32) {
    %c0_i32 = arith.constant 0 : i32
    %c0_i32_0 = arith.constant 0 : i32
    %c0_i32_1 = arith.constant 0 : i32
    return %c0_i32, %c0_i32_0 : i32, i32
  }
  func.func @transform_2(%arg0: i32) -> (i32, i32) {
    %c0_i32 = arith.constant 0 : i32
    %c0_i32_0 = arith.constant 0 : i32
    %c0_i32_1 = arith.constant 0 : i32
    return %c0_i32, %c0_i32_0 : i32, i32
  }
  func.func @transform_3(%arg0: i32) -> (i32, i32) {
    %c0_i32 = arith.constant 0 : i32
    %c0_i32_0 = arith.constant 0 : i32
    return %arg0, %c0_i32 : i32, i32
  }
  func.func @transform_4(%arg0: i32) -> (i32, i32, i32) {
    %c0_i32 = arith.constant 0 : i32
    %c0_i32_0 = arith.constant 0 : i32
    %c0_i32_1 = arith.constant 0 : i32
    return %arg0, %c0_i32, %c0_i32_0 : i32, i32, i32
  }
}

module attributes {stable_mosaic.version = 14 : i64} {
  func.func @_combine_body(%arg0: i32, %arg1: memref<2x1000x128xf32, #tpu.memory_space<vmem>>, %arg2: memref<1000x2x128xf32, #tpu.memory_space<vmem>>, %arg3: memref<1000x1xf32, #tpu.memory_space<vmem>>, %arg4: memref<1000x256xf32, #tpu.memory_space<vmem>>) attributes {dimension_semantics = [#tpu.dimension_semantics<arbitrary>], iteration_bounds = array<i64: 10>, scalar_prefetch = 0 : i64, scratch_operands = 0 : i64, tpu.core_type = #tpu.core_type<tc>, window_params = [{transform_indices = @transform_0, window_bounds = array<i64: 2, 1000, 128>}, {transform_indices = @transform_1, window_bounds = array<i64: 1000, 2, 128>}, {transform_indices = @transform_2, window_bounds = array<i64: 1000, 1>}, {transform_indices = @transform_3, window_bounds = array<i64: 1000, 256>}]} {
    %get3A = arith.constant 0 : index
    %get3A_0 = arith.constant 0 : index
    %get3A_1 = vector.load %arg3[%get3A, %get3A_0] : memref<1000x1xf32, #tpu.memory_space<vmem>>, vector<1000x1xf32>
    %get3A_2 = arith.constant 0 : index
    %get3A_3 = arith.constant 0 : index
    %get3A_4 = arith.constant 0 : index
    %get3A_5 = vector.load %arg1[%get3A_2, %get3A_3, %get3A_4] : memref<2x1000x128xf32, #tpu.memory_space<vmem>>, vector<1x1000x128xf32>
    %get3A_6 = vector.shape_cast %get3A_5 : vector<1x1000x128xf32> to vector<1000x128xf32>
    %get3A_7 = arith.constant 0 : index
    %get3A_8 = arith.constant 0 : index
    %get3A_9 = arith.constant 0 : index
    %get3A_10 = vector.load %arg2[%get3A_7, %get3A_8, %get3A_9] : memref<1000x2x128xf32, #tpu.memory_space<vmem>>, vector<1000x1x128xf32>
    %get3A_11 = vector.shape_cast %get3A_10 : vector<1000x1x128xf32> to vector<1000x128xf32>
    %add3A = arith.addf %get3A_6, %get3A_11 : vector<1000x128xf32>
    %mul3A = vector.broadcast %get3A_1 : vector<1000x1xf32> to vector<1000x128xf32>
    %mul3A_12 = arith.mulf %add3A, %mul3A : vector<1000x128xf32>
    %swap3A = arith.constant 0 : index
    %swap3A_13 = arith.constant 0 : index
    %swap3A_14 = vector.load %arg4[%swap3A, %swap3A_13] : memref<1000x256xf32, #tpu.memory_space<vmem>>, vector<1000x128xf32>
    tpu.vector_store %arg4[%swap3A, %swap3A_13], %mul3A_12 {strides = array<i32>} : memref<1000x256xf32, #tpu.memory_space<vmem>>, vector<1000x128xf32>,
    %get3A_15 = arith.constant 1 : index
    %get3A_16 = arith.constant 0 : index
    %get3A_17 = arith.constant 0 : index
    %get3A_18 = vector.load %arg1[%get3A_15, %get3A_16, %get3A_17] : memref<2x1000x128xf32, #tpu.memory_space<vmem>>, vector<1x1000x128xf32>
    %get3A_19 = vector.shape_cast %get3A_18 : vector<1x1000x128xf32> to vector<1000x128xf32>
    %get3A_20 = arith.constant 0 : index
    %get3A_21 = arith.constant 1 : index
    %get3A_22 = arith.constant 0 : index
    %get3A_23 = vector.load %arg2[%get3A_20, %get3A_21, %get3A_22] : memref<1000x2x128xf32, #tpu.memory_space<vmem>>, vector<1000x1x128xf32>
    %get3A_24 = vector.shape_cast %get3A_23 : vector<1000x1x128xf32> to vector<1000x128xf32>
    %add3A_25 = arith.addf %get3A_19, %get3A_24 : vector<1000x128xf32>
    %mul3A_26 = vector.broadcast %get3A_1 : vector<1000x1xf32> to vector<1000x128xf32>
    %mul3A_27 = arith.mulf %add3A_25, %mul3A_26 : vector<1000x128xf32>
    %swap3A_28 = arith.constant 0 : index
    %swap3A_29 = arith.constant 128 : index
    %swap3A_30 = vector.load %arg4[%swap3A_28, %swap3A_29] : memref<1000x256xf32, #tpu.memory_space<vmem>>, vector<1000x128xf32>
    tpu.vector_store %arg4[%swap3A_28, %swap3A_29], %mul3A_27 {strides = array<i32>} : memref<1000x256xf32, #tpu.memory_space<vmem>>, vector<1000x128xf32>,
    return
  }
  func.func @transform_0(%arg0: i32) -> (i32, i32, i32) {
    %c0_i32 = arith.constant 0 : i32
    %c0_i32_0 = arith.constant 0 : i32
    %c0_i32_1 = arith.constant 0 : i32
    return %c0_i32, %arg0, %c0_i32_0 : i32, i32, i32
  }
  func.func @transform_1(%arg0: i32) -> (i32, i32, i32) {
    %c0_i32 = arith.constant 0 : i32
    %c0_i32_0 = arith.constant 0 : i32
    %c0_i32_1 = arith.constant 0 : i32
    return %arg0, %c0_i32, %c0_i32_0 : i32, i32, i32
  }
  func.func @transform_2(%arg0: i32) -> (i32, i32) {
    %c0_i32 = arith.constant 0 : i32
    %c0_i32_0 = arith.constant 0 : i32
    return %arg0, %c0_i32 : i32, i32
  }
  func.func @transform_3(%arg0: i32) -> (i32, i32) {
    %c0_i32 = arith.constant 0 : i32
    %c0_i32_0 = arith.constant 0 : i32
    return %arg0, %c0_i32 : i32, i32
  }
}

</mosaic_0001>

<sc_bundles>
// kernel: kernel.6.cloned.1.call-start
scs
__scs_entry_jumppad:
0x0: {  	(pc) =	sbr.rel $0x88, $3  }
0x1: {  	(tag) =	ssettag $0x0;
	lr =	simm.s32 $0x1  }
0x2: {  	[smem:$0x3F9D] =	sst lr;
	_ =	strace $0xD0000000  }
0x3: {  	_ = 	snop  }
0x4: {  	_ = 	snop  }
0x5: {  	_ = 	snop  }
0x6: {  	_ = 	snop  }
0x7: {  	_ = 	snop  }
__scs_overlays_trampoline_lowered:
0x8: {  	[smem:$0x3FAC] =	sst s0  }
0x9: {  	[smem:$0x3FAD] =	sst s1  }
0xa: {  	[smem:$0x3FAE] =	sst s2  }
0xb: {  	[smem:$0x3FAF] =	sst s3  }
0xc: {  	[smem:$0x3FB0] =	sst s4  }
0xd: {  	[smem:$0x3FB1] =	sst s5  }
0xe: {  	[smem:$0x3FB2] =	sst s6  }
0xf: {  	[smem:$0x3FB3] =	sst s7  }
0x10: {  	[smem:$0x3FB4] =	sst s8  }
0x11: {  	[smem:$0x3FB5] =	sst s9;
	s0 =	simm.s32 @!p0 $0x0  }
0x12: {  	s1 =	sld [smem:$0x3F9B];
	s0 =	simm.s32 @p0 $0x1  }
0x13: {  	[smem:$0x3FB6] =	sst s0;
	s0 =	simm.s32 @!p1 $0x0  }
0x14: {  	s2 =	sld [smem:$0x3F9A];
	s0 =	simm.s32 @p1 $0x1  }
0x15: {  	[smem:$0x3FB7] =	sst s0;
	s0 =	simm.s32 @!p2 $0x0  }
0x16: {  	s3 =	sld [smem:$0x3FDB];
	s0 =	simm.s32 @p2 $0x1  }
0x17: {  	s4 =	simm.s32 $0x1BF5;
	[smem:$0x3FB9] =	sst s0  }
0x18: {  	s0 =	sld [smem:$0x3F9C];
	_ =	swait.ge [sflag:s4], $0x0  }
0x19: {  	s7 =	sld [smem:$0x3F9D]  }
0x1a: {  	s8 =	sadd.s32 $0xFFFFE003, lr  }
0x1b: {  	s9 =	sadd.s32 $0xFFFFFEF7, lr;
	s5 =	simm.s32 $0xFFFFFFFF;
	p2 =	slt.u32 s8, $0xFFFFF086  }
0x1c: {  	p1 =	slt.u32 s9, $0xF7A;
	s5 =	simm.s32 @!p2 $0x0  }
0x1d: {  	s5 =	simm.s32 @p1 $0x1;
	p0 =	seq.s32 s7, s2  }
0x1e: {  	s7 =	smul.u32 @!p0 $0xF7A, s2;
	p2 =	seq.s32 @!p0 s5, $0x0  }
0x1f: {  	s9 =	smul.u32 $0xF7A, s1;
	s8 =	simm.s32 @!p0 $0x1BF5;
	p2 =	por !p2, p0  }
0x20: {  	[sflag:s8] =	ssyncset.s32 @!p0 $0xFFFFF086;
	s6 =	sadd.s32 @!p0 s3, s7;
	s7 =	simm.s32 @!p0 $0x108  }
0x21: {  	s3 =	sadd.s32 s3, s9;
	s6 =	sadd.s32 @!p0 $0x88, s6;
	s7 =	simm.s32 @p2 $0x1082  }
0x22: {  	[simem:s7], [sflag:s8] =	dma.local @!p0 [hbm:s6], $0xF7A  }
0x23: {  	s9 =	sor.u32 $0xD0000000, s2;
	s6 =	simm.s32 $0x108;
	_ =	swait.ge @!p0 [sflag:s8], $0x0  }
0x24: {  	s3 =	sadd.s32 $0x88, s3;
	s6 =	simm.s32 @!p1 $0x1082;
	[sflag:s4] =	ssyncset.s32 $0xFFFFF086  }
0x25: {  	[simem:s6], [sflag:s4] =	dma.local [hbm:s3], $0xF7A  }
0x26: {  	[smem:$0x3F9D] =	sst s1;
	(tag) =	ssettag s2;
	_ =	strace s9  }
0x27: {  	s1 =	sld [smem:$0x3FAD]  }
0x28: {  	s2 =	sld [smem:$0x3FAE]  }
0x29: {  	s4 =	sld [smem:$0x3FB0]  }
0x2a: {  	p0 =	seq.s32 s5, $0x0;
	s5 =	sld [smem:$0x3FB1]  }
0x2b: {  	s6 =	sld [smem:$0x3FB2]  }
0x2c: {  	s7 =	sld [smem:$0x3FB3]  }
0x2d: {  	s3 =	simm.s32 $0x108;
	s8 =	sld [smem:$0x3FB4]  }
0x2e: {  	s3 =	simm.s32 @!p0 $0x1082;
	s9 =	sld [smem:$0x3FB5]  }
0x2f: {  	lr =	sadd.s32 s0, s3;
	s0 =	sld [smem:$0x3FAC]  }
0x30: {  	s3 =	sld [smem:$0x3FAF]  }
0x31: {  	[smem:$0x3FB8] =	sst s10  }
0x32: {  	s10 =	sld [smem:$0x3FB6];
	_ =	sdelay $0x3  }
0x33: {  	p0 =	seq.s32 s10, $0x1;
	s10 =	sld [smem:$0x3FB8];
	_ =	sdelay $0x3  }
0x34: {  	[smem:$0x3FB8] =	sst s10  }
0x35: {  	s10 =	sld [smem:$0x3FB7];
	_ =	sdelay $0x3  }
0x36: {  	p1 =	seq.s32 s10, $0x1;
	s10 =	sld [smem:$0x3FB8];
	_ =	sdelay $0x3  }
0x37: {  	[smem:$0x3FB8] =	sst s10  }
0x38: {  	s10 =	sld [smem:$0x3FB9]  }
0x39: {  	_ = 	snop;
	(pc) =	sbr.ind lr, $3  }
0x3a: {  	_ = 	snop  }
0x3b: {  	_ = 	snop  }
0x3c: {  	p2 =	seq.s32 s10, $0x1;
	s10 =	sld [smem:$0x3FB8]  }
0x3d: {  	_ =	shalt  }
0x3e: {  	_ =	shalt  }
0x3f: {  	_ =	shalt  }
0x40: {  	_ =	shalt  }
0x41: {  	_ =	shalt  }
0x42: {  	_ =	shalt  }
0x43: {  	_ =	shalt  }
0x44: {  	_ =	shalt  }
0x45: {  	_ =	shalt  }
0x46: {  	_ =	shalt  }
0x47: {  	_ =	shalt  }
0x48: {  	_ =	shalt  }
0x49: {  	_ =	shalt  }
0x4a: {  	_ =	shalt  }
0x4b: {  	_ =	shalt  }
0x4c: {  	_ =	shalt  }
0x4d: {  	_ =	shalt  }
0x4e: {  	_ =	shalt  }
0x4f: {  	_ =	shalt  }
0x50: {  	_ =	shalt  }
0x51: {  	_ =	shalt  }
0x52: {  	_ =	shalt  }
0x53: {  	_ =	shalt  }
0x54: {  	_ =	shalt  }
0x55: {  	_ =	shalt  }
0x56: {  	_ =	shalt  }
0x57: {  	_ =	shalt  }
0x58: {  	_ =	shalt  }
0x59: {  	_ =	shalt  }
0x5a: {  	_ =	shalt  }
0x5b: {  	_ =	shalt  }
0x5c: {  	_ =	shalt  }
0x5d: {  	_ =	shalt  }
0x5e: {  	_ =	shalt  }
0x5f: {  	_ =	shalt  }
0x60: {  	_ =	shalt  }
0x61: {  	_ =	shalt  }
0x62: {  	_ =	shalt  }
0x63: {  	_ =	shalt  }
0x64: {  	_ =	shalt  }
0x65: {  	_ =	shalt  }
0x66: {  	_ =	shalt  }
0x67: {  	_ =	shalt  }
0x68: {  	_ =	shalt  }
0x69: {  	_ =	shalt  }
0x6a: {  	_ =	shalt  }
0x6b: {  	_ =	shalt  }
0x6c: {  	_ =	shalt  }
0x6d: {  	_ =	shalt  }
0x6e: {  	_ =	shalt  }
0x6f: {  	_ =	shalt  }
0x70: {  	_ =	shalt  }
0x71: {  	_ =	shalt  }
0x72: {  	_ =	shalt  }
0x73: {  	_ =	shalt  }
0x74: {  	_ =	shalt  }
0x75: {  	_ =	shalt  }
0x76: {  	_ =	shalt  }
0x77: {  	_ =	shalt  }
0x78: {  	_ =	shalt  }
0x79: {  	_ =	shalt  }
0x7a: {  	_ =	shalt  }
0x7b: {  	_ =	shalt  }
0x7c: {  	_ =	shalt  }
0x7d: {  	_ =	shalt  }
0x7e: {  	_ =	shalt  }
0x7f: {  	_ =	shalt  }
0x80: {  	_ =	shalt  }
0x81: {  	_ =	shalt  }
0x82: {  	_ =	shalt  }
0x83: {  	_ =	shalt  }
0x84: {  	_ =	shalt  }
0x85: {  	_ =	shalt  }
0x86: {  	_ =	shalt  }
0x87: {  	_ =	shalt  }
.Lfunc_end0:
.L_simem_size_0:
called_computation_lowered:
.L_overlay_start_0:
0x88: {  	s2 =	sld [smem:$0x3FD9]  }
0x89: {  	s3 =	sld [smem:$0x3FFE];
	_ =	sdelay $0x1  }
0x8a: {  	s1 =	srdreg.scid  }
0x8b: {  	s0 =	sand.u32 $0x1, s1  }
0x8c: {  	s16 =	sshll.u32 s0, $0xA;
	s2 =	sadd.s32 s3, s2  }
0x8d: {  	s2 =	sadd.s32 s2, s16  }
0x8e: {  	[smem:$0x3FC4] =	sst s2  }
0x8f: {  	_ = 	snop  }
0x90: {  	(tm) =	ssettm $0x1  }
0x91: {  	s17 =	sld [smem:$0x3FFB];
	_ =	sdelay $0x3  }
0x92: {  	_ =	strace s17  }
0x93: {  	s2 =	sld [smem:$0x3FFC];
	_ =	sdelay $0x3  }
0x94: {  	_ =	strace s2  }
0x95: {  	s2 =	sld [smem:$0x3FFD];
	_ =	sdelay $0x3  }
0x96: {  	_ =	strace s2  }
0x97: {  	_ =	strace $0x8FFFFFFF  }
0x98: {  	s18 =	sld [smem:$0x3FDB];
	_ =	sdelay $0x1  }
0x99: {  	s19 =	simm.s32 $_scs_section_size  }
0x9a: {  	s4 =	simm.s32 $_size__tile_overlayer_lowered;
	s5 =	simm.s32 $_tile_overlayer_lowered  }
0x9b: {  	s22 =	simm.s32 $0x1BFF;
	s21 =	sshll.u32 s5, $0x1;
	s2 =	sadd.s32 s19, s18  }
0x9c: {  	s6 =	simm.s32 $0x0;
	s20 =	sshll.u32 s4, $0x1;
	s4 =	sadd.s32 s21, s2  }
0x9d: {  	[timem:s6], [sflag:s22] =	dma.local [hbm:s4], s20  }
0x9e: {  	_ =	swait.ge [sflag:s22], s20  }
0x9f: {  	s3 =	ssub.s32 $0x0, s20;
	[sflag:s22] =	ssyncset.done $0x0  }
0xa0: {  	[sflag:s22] =	ssyncadd.s32 s3;
	_ =	sdelay $0x1  }
0xa1: {  	s23 =	simm.s32 $0x1B8B  }
0xa2: {  	_ =	swait.ge [sflag:s23], $0x1  }
0xa3: {  	[sflag:s23] =	ssyncset.done $0x0  }
0xa4: {  	s25 =	simm.s32 $0x1B8E;
	s24 =	sld [smem:$0x3FFE];
	[sflag:s23] =	ssyncadd.s32 $0xFFFFFFFF  }
0xa5: {  	s26 =	simm.s32 $execute0_lowered;
	[smem:$0x3FD2] =	sst s25  }
0xa6: {  	s4 =	sshll.u32 s26, $0x1;
	_ =	strace $0x80000046;
	[dreg:$0x1] =	wrdreg $0xFFFFFFFF  }
0xa7: {  	s28 =	simm.s32 $_size_execute0_lowered;
	s2 =	sadd.s32 s2, s4;
	[dreg:$0x0] =	wrdreg $0x0  }
0xa8: {  	s4 =	sshll.u32 s28, $0x1;
	[dreg:$0x2] =	wrdreg s2  }
0xa9: {  	[dreg:$0x3] =	wrdreg s4  }
0xaa: {  	[dreg:$0x4] =	wrdreg $0xC0  }
0xab: {  	_ =	task [dreg:s6], $0x5FFFF  }
0xac: {  	[dreg:$0x1] =	wrdreg $0xFFFFFFFF  }
0xad: {  	[dreg:$0x0] =	wrdreg $0x60  }
0xae: {  	[dreg:$0x2] =	wrdreg s24  }
0xaf: {  	[dreg:$0x3] =	wrdreg $0x54000  }
0xb0: {  	[dreg:$0x4] =	wrdreg $0x9  }
0xb1: {  	_ =	task.clear_ibuf [dreg:s6], $0x5FFFF;
	_ =	strace $0x90000046  }
0xb2: {  	s29 =	simm.s32 $0x9;
	_ =	strace $0x80000048  }
0xb3: {  	_ =	swait.ge [sflag:s29], $0x1  }
0xb4: {  	[sflag:s29] =	ssyncadd.s32 $0xFFFFFFFF  }
0xb5: {  	_ =	strace $0x90000048  }
0xb6: {  	_ =	sfence  }
0xb7: {  	s30 =	sld [smem:$0x0];
	_ =	sdelay $0x2  }
0xb8: {  	s31 =	sshll.u32 s1, $0xD;
	s1 =	sshrl.u32 s1, $0x2  }
0xb9: {  	s3 =	sand.u32 $0x4000, s31;
	s1 =	sadd.s32 s1, s30  }
0xba: {  	s0 =	sor.u32 s3, s0;
	s1 =	sshll.u32 s1, $0x11  }
0xbb: {  	s0 =	sor.u32 s1, s0  }
0xbc: {  	s0 =	sadd.s32 $0x8F2B, s0  }
0xbd: {  	[sflag:s0] =	ssyncadd.remote.s32 $0x1  }
0xbe: {  	_ =	sfence.sel $0xFFFF  }
0xbf: {  	[dreg:$0x0] =	wrdreg $0xFFFFFFFF;
	(pc) =	sbr.abs _section_cstart, $3  }
0xc0: {  	[dreg:$0x1] =	wrdreg $0xFFFFFFFF  }
0xc1: {  	_ =	task.clear_ibuf [dreg:s6], $0x2FFFF;
	_ =	strace $0x9FFFFFFF  }
0xc2: {  	(tm) =	ssettm $0x7FFFFFFF  }
0xc3: {  	_ =	shalt  }
tec
execute0_lowered:
.L_overlay_start_1:
0x0: {  	(tag) =	ssettag $0x1  }
0x1: {  	s7 =	rddreg [dreg:$0x0]  }
0x2: {  	s0 =	srdreg.scid;
	s2 =	rddreg [dreg:$0x1]  }
0x3: {  	s3 =	simm.s32 $0x0;
	s12 =	simm.s32 $0x1400;
	s6 =	sand.u32 $0x1, s0  }
0x4: {  	s13 =	simm.s32 $0x80;
	s0 =	stileid.u32;
	s5 =	smul.u32 $0x13C000, s6  }
0x5: {  	s14 =	simm.s32 $0x0;
	[smem:$0x7FF] =	sst s3;
	s8 =	smul.u32 $0x13C00, s0  }
0x6: {  	s1 =	sshll.u32 s6, $0x4;
	s10 =	smul.u32 $0x4F000, s0;
	s6 =	ssub.s32 $0x2, s6  }
0x7: {  	s31 =	sshll.u32 s0, $0x6;
	s1 =	sor.u32 s0, s1;
	s30 =	sshrl.u32 s6, $0x1  }
0x8: {  	s4 =	smul.u32 $0x280, s1;
	s1 =	rddreg [dreg:$0x2];
	_ =	strace $0x80000047  }
0x9: {  	s8 =	sadd.s32 s8, s5;
	s5 =	sadd.s32 $0x6000, s7;
	s10 =	sshrl.u32 s10, $0x2  }
0xa: {  	s11 =	ssub.s32 s6, s30;
	s6 =	sor.u32 $0x1C01, s31;
	s8 =	sshrl.u32 s8, $0x3  }
0xb: {  	s10 =	sadd.s32 s10, s2;
	s9 =	sadd.s32 s4, s7;
	s4 =	sadd.s32 $0x5800, s7  }
0xc: {  	s8 =	sadd.s32 s8, s7;
	s10 =	sshrl.u32 s10, $0x3;
	s7 =	sadd.s32 $0x800, s9  }
0xd: {  	s8 =	sadd.s32 $0x8800, s8;
	s9 =	smax.u32 s11, $0x1;
	s11 =	simm.s32 $0x1  }
.LBB2_1:
0xe: {  	[spmem:s10], [sflag:s6] =	dma.local [hbm:s5], $0x2780  }
0xf: {  	_ =	swait.ge [sflag:s11], $0x2780  }
0x10: {  	[sflag:s11] =	ssyncset.done $0x0  }
0x11: {  	[sflag:s11] =	ssyncadd.s32 $0xFFFFD880  }
0x12: {  	[tilespmem:s12], [sflag:$0x1] =	stream.linear.gather [hbm4b:s4+s3], $0x4000, $0x38;
	[tilespmem:$0x7B80] =	vst v63  }
0x13: {  	_ =	swait.ge [sflag:s11], $0x4000  }
0x14: {  	[sflag:s11] =	ssyncset.done $0x0  }
0x15: {  	[sflag:s11] =	ssyncadd.s32 $0xFFFFC000  }
0x16: {  	[tilespmem:s3], [sflag:$0x1] =	stream.linear.gather [hbm4b:s7+s3], $0x1400, $0x38;
	[tilespmem:$0x7B80] =	vst v63  }
0x17: {  	_ =	swait.ge [sflag:s11], $0x1400  }
0x18: {  	[sflag:s11] =	ssyncset.done $0x0  }
0x19: {  	[sflag:s11] =	ssyncadd.s32 $0xFFFFEC00  }
0x1a: {  	s15 =	simm.s32 $0x0;
	[bflag:$0x0] =	sbarrier.arrive $0xFFFF  }
0x1b: {  	[spmem:s2] =	stream.indirect.scatter.add.f32 [tilespmem:s12], [sflag:$0x1], $0x10, s15, s13, $0xb8;
	[tilespmem:$0x7B80] =	vst v63  }
0x1c: {  	_ =	swait.ge [sflag:s11], $0x800  }
0x1d: {  	s15 =	simm.s32 $0x200;
	[sflag:s11] =	ssyncset.done $0x0  }
.LBB2_2:
0x1e: {  	s16 =	sshra.s32 s15, $0x2;
	[sflag:s11] =	ssyncadd.s32 $0xFFFFF800;
	p0 =	sne.s32 s15, $0x4E00  }
0x1f: {  	[spmem:s2] =	stream.indirect.scatter.add.f32 [tilespmem:s12], [sflag:$0x1], $0x10, s16, s13, $0xb8;
	[tilespmem:$0x7B80] =	vst v63  }
.Ltmp0:
0x20: {  	_ = 	snop;
	(pc) =	sbr.rel @p0 .LBB2_2-.Ltmp0, $4  }
0x21: {  	_ = 	snop  }
0x22: {  	s15 =	sadd.s32 $0x200, s15  }
0x23: {  	_ =	swait.ge [sflag:s11], $0x800  }
0x24: {  	[sflag:s11] =	ssyncset.done $0x0  }
0x25: {  	s14 =	sadd.s32 $0x1, s14  }
0x26: {  	[sflag:s11] =	ssyncadd.s32 $0xFFFFF800;
	p0 =	sne.s32 s14, s9  }
.Ltmp1:
0x27: {  	[bflag:$0x0] =	sbarrier.arrive $0xFFFF;
	(pc) =	sbr.rel @p0 .LBB2_1-.Ltmp1, $4  }
0x28: {  	[hbm:s8], [sflag:s6] =	dma.local [spmem:s10], $0x2780  }
0x29: {  	_ =	swait.ge [sflag:s11], $0x2780  }
0x2a: {  	[sflag:s11] =	ssyncset.done $0x0  }
0x2b: {  	[sflag:s11] =	ssyncadd.s32 $0xFFFFD880  }
0x2c: {  	_ =	sfence.sel $0x180000  }
0x2d: {  	[bflag:$0x0] =	sbarrier.arrive $0xFFFF  }
0x2e: {  	p0 =	sne.s32 s0, $0x0;
	_ =	strace $0x90000047  }
0x2f: {  	s0 =	sadd.s32 @!p0 $0x100000, s1;
	[bflag:$0x2] =	sbarrier.arrive $0xFFFF  }
0x30: {  	[sflag:s0] =	ssyncadd.tile.s32 @!p0 $0x1;
	_ =	shalt  }
.Lfunc_end2:
_tile_overlayer_lowered:
.L_overlay_start_2:
0x31: {  	(tag) =	ssettag $0x2  }
0x32: {  	s0 =	rddreg [dreg:$0x0];
	s2 =	stileid.u32  }
0x33: {  	s1 =	rddreg [dreg:$0x1];
	p0 =	sne.s32 s2, $0x0  }
0x34: {  	s3 =	rddreg [dreg:$0x2];
	[bflag:$0x3] =	sbarrier.arrive $0xFFFF;
	s2 =	simm.s32 @!p0 $0x1C01  }
0x35: {  	[timem:s3], [sflag:s2] =	dma.local @!p0 [hbm:s0], s1  }
0x36: {  	s0 =	simm.s32 @!p0 $0x1  }
0x37: {  	_ =	swait.ge @!p0 [sflag:s0], s1  }
0x38: {  	s1 =	ssub.s32 @!p0 $0x0, s1;
	[sflag:s0] =	ssyncset.done @!p0 $0x0  }
0x39: {  	[sflag:s0] =	ssyncadd.s32 @!p0 s1  }
0x3a: {  	[bflag:$0x3] =	sbarrier.arrive $0xFFFF  }
0x3b: {  	_ =	shalt  }

// kernel: kernel.9.cloned.1.call-start
scs
__scs_entry_jumppad:
0x0: {  	(pc) =	sbr.rel $0x88, $3  }
0x1: {  	(tag) =	ssettag $0x0;
	lr =	simm.s32 $0x1  }
0x2: {  	[smem:$0x3F9D] =	sst lr;
	_ =	strace $0xD0000000  }
0x3: {  	_ = 	snop  }
0x4: {  	_ = 	snop  }
0x5: {  	_ = 	snop  }
0x6: {  	_ = 	snop  }
0x7: {  	_ = 	snop  }
__scs_overlays_trampoline_lowered:
0x8: {  	[smem:$0x3FAC] =	sst s0  }
0x9: {  	[smem:$0x3FAD] =	sst s1  }
0xa: {  	[smem:$0x3FAE] =	sst s2  }
0xb: {  	[smem:$0x3FAF] =	sst s3  }
0xc: {  	[smem:$0x3FB0] =	sst s4  }
0xd: {  	[smem:$0x3FB1] =	sst s5  }
0xe: {  	[smem:$0x3FB2] =	sst s6  }
0xf: {  	[smem:$0x3FB3] =	sst s7  }
0x10: {  	[smem:$0x3FB4] =	sst s8  }
0x11: {  	[smem:$0x3FB5] =	sst s9;
	s0 =	simm.s32 @!p0 $0x0  }
0x12: {  	s1 =	sld [smem:$0x3F9B];
	s0 =	simm.s32 @p0 $0x1  }
0x13: {  	[smem:$0x3FB6] =	sst s0;
	s0 =	simm.s32 @!p1 $0x0  }
0x14: {  	s2 =	sld [smem:$0x3F9A];
	s0 =	simm.s32 @p1 $0x1  }
0x15: {  	[smem:$0x3FB7] =	sst s0;
	s0 =	simm.s32 @!p2 $0x0  }
0x16: {  	s3 =	sld [smem:$0x3FDB];
	s0 =	simm.s32 @p2 $0x1  }
0x17: {  	s4 =	simm.s32 $0x1BF5;
	[smem:$0x3FB9] =	sst s0  }
0x18: {  	s0 =	sld [smem:$0x3F9C];
	_ =	swait.ge [sflag:s4], $0x0  }
0x19: {  	s7 =	sld [smem:$0x3F9D]  }
0x1a: {  	s8 =	sadd.s32 $0xFFFFE003, lr  }
0x1b: {  	s9 =	sadd.s32 $0xFFFFFEF7, lr;
	s5 =	simm.s32 $0xFFFFFFFF;
	p2 =	slt.u32 s8, $0xFFFFF086  }
0x1c: {  	p1 =	slt.u32 s9, $0xF7A;
	s5 =	simm.s32 @!p2 $0x0  }
0x1d: {  	s5 =	simm.s32 @p1 $0x1;
	p0 =	seq.s32 s7, s2  }
0x1e: {  	s7 =	smul.u32 @!p0 $0xF7A, s2;
	p2 =	seq.s32 @!p0 s5, $0x0  }
0x1f: {  	s9 =	smul.u32 $0xF7A, s1;
	s8 =	simm.s32 @!p0 $0x1BF5;
	p2 =	por !p2, p0  }
0x20: {  	[sflag:s8] =	ssyncset.s32 @!p0 $0xFFFFF086;
	s6 =	sadd.s32 @!p0 s3, s7;
	s7 =	simm.s32 @!p0 $0x108  }
0x21: {  	s3 =	sadd.s32 s3, s9;
	s6 =	sadd.s32 @!p0 $0x88, s6;
	s7 =	simm.s32 @p2 $0x1082  }
0x22: {  	[simem:s7], [sflag:s8] =	dma.local @!p0 [hbm:s6], $0xF7A  }
0x23: {  	s9 =	sor.u32 $0xD0000000, s2;
	s6 =	simm.s32 $0x108;
	_ =	swait.ge @!p0 [sflag:s8], $0x0  }
0x24: {  	s3 =	sadd.s32 $0x88, s3;
	s6 =	simm.s32 @!p1 $0x1082;
	[sflag:s4] =	ssyncset.s32 $0xFFFFF086  }
0x25: {  	[simem:s6], [sflag:s4] =	dma.local [hbm:s3], $0xF7A  }
0x26: {  	[smem:$0x3F9D] =	sst s1;
	(tag) =	ssettag s2;
	_ =	strace s9  }
0x27: {  	s1 =	sld [smem:$0x3FAD]  }
0x28: {  	s2 =	sld [smem:$0x3FAE]  }
0x29: {  	s4 =	sld [smem:$0x3FB0]  }
0x2a: {  	p0 =	seq.s32 s5, $0x0;
	s5 =	sld [smem:$0x3FB1]  }
0x2b: {  	s6 =	sld [smem:$0x3FB2]  }
0x2c: {  	s7 =	sld [smem:$0x3FB3]  }
0x2d: {  	s3 =	simm.s32 $0x108;
	s8 =	sld [smem:$0x3FB4]  }
0x2e: {  	s3 =	simm.s32 @!p0 $0x1082;
	s9 =	sld [smem:$0x3FB5]  }
0x2f: {  	lr =	sadd.s32 s0, s3;
	s0 =	sld [smem:$0x3FAC]  }
0x30: {  	s3 =	sld [smem:$0x3FAF]  }
0x31: {  	[smem:$0x3FB8] =	sst s10  }
0x32: {  	s10 =	sld [smem:$0x3FB6];
	_ =	sdelay $0x3  }
0x33: {  	p0 =	seq.s32 s10, $0x1;
	s10 =	sld [smem:$0x3FB8];
	_ =	sdelay $0x3  }
0x34: {  	[smem:$0x3FB8] =	sst s10  }
0x35: {  	s10 =	sld [smem:$0x3FB7];
	_ =	sdelay $0x3  }
0x36: {  	p1 =	seq.s32 s10, $0x1;
	s10 =	sld [smem:$0x3FB8];
	_ =	sdelay $0x3  }
0x37: {  	[smem:$0x3FB8] =	sst s10  }
0x38: {  	s10 =	sld [smem:$0x3FB9]  }
0x39: {  	_ = 	snop;
	(pc) =	sbr.ind lr, $3  }
0x3a: {  	_ = 	snop  }
0x3b: {  	_ = 	snop  }
0x3c: {  	p2 =	seq.s32 s10, $0x1;
	s10 =	sld [smem:$0x3FB8]  }
0x3d: {  	_ =	shalt  }
0x3e: {  	_ =	shalt  }
0x3f: {  	_ =	shalt  }
0x40: {  	_ =	shalt  }
0x41: {  	_ =	shalt  }
0x42: {  	_ =	shalt  }
0x43: {  	_ =	shalt  }
0x44: {  	_ =	shalt  }
0x45: {  	_ =	shalt  }
0x46: {  	_ =	shalt  }
0x47: {  	_ =	shalt  }
0x48: {  	_ =	shalt  }
0x49: {  	_ =	shalt  }
0x4a: {  	_ =	shalt  }
0x4b: {  	_ =	shalt  }
0x4c: {  	_ =	shalt  }
0x4d: {  	_ =	shalt  }
0x4e: {  	_ =	shalt  }
0x4f: {  	_ =	shalt  }
0x50: {  	_ =	shalt  }
0x51: {  	_ =	shalt  }
0x52: {  	_ =	shalt  }
0x53: {  	_ =	shalt  }
0x54: {  	_ =	shalt  }
0x55: {  	_ =	shalt  }
0x56: {  	_ =	shalt  }
0x57: {  	_ =	shalt  }
0x58: {  	_ =	shalt  }
0x59: {  	_ =	shalt  }
0x5a: {  	_ =	shalt  }
0x5b: {  	_ =	shalt  }
0x5c: {  	_ =	shalt  }
0x5d: {  	_ =	shalt  }
0x5e: {  	_ =	shalt  }
0x5f: {  	_ =	shalt  }
0x60: {  	_ =	shalt  }
0x61: {  	_ =	shalt  }
0x62: {  	_ =	shalt  }
0x63: {  	_ =	shalt  }
0x64: {  	_ =	shalt  }
0x65: {  	_ =	shalt  }
0x66: {  	_ =	shalt  }
0x67: {  	_ =	shalt  }
0x68: {  	_ =	shalt  }
0x69: {  	_ =	shalt  }
0x6a: {  	_ =	shalt  }
0x6b: {  	_ =	shalt  }
0x6c: {  	_ =	shalt  }
0x6d: {  	_ =	shalt  }
0x6e: {  	_ =	shalt  }
0x6f: {  	_ =	shalt  }
0x70: {  	_ =	shalt  }
0x71: {  	_ =	shalt  }
0x72: {  	_ =	shalt  }
0x73: {  	_ =	shalt  }
0x74: {  	_ =	shalt  }
0x75: {  	_ =	shalt  }
0x76: {  	_ =	shalt  }
0x77: {  	_ =	shalt  }
0x78: {  	_ =	shalt  }
0x79: {  	_ =	shalt  }
0x7a: {  	_ =	shalt  }
0x7b: {  	_ =	shalt  }
0x7c: {  	_ =	shalt  }
0x7d: {  	_ =	shalt  }
0x7e: {  	_ =	shalt  }
0x7f: {  	_ =	shalt  }
0x80: {  	_ =	shalt  }
0x81: {  	_ =	shalt  }
0x82: {  	_ =	shalt  }
0x83: {  	_ =	shalt  }
0x84: {  	_ =	shalt  }
0x85: {  	_ =	shalt  }
0x86: {  	_ =	shalt  }
0x87: {  	_ =	shalt  }
.Lfunc_end0:
.L_simem_size_0:
called_computation.1_lowered:
.L_overlay_start_0:
0x88: {  	s2 =	sld [smem:$0x3FD9]  }
0x89: {  	s3 =	sld [smem:$0x3FFE];
	_ =	sdelay $0x1  }
0x8a: {  	s1 =	srdreg.scid  }
0x8b: {  	s0 =	sand.u32 $0x1, s1  }
0x8c: {  	s17 =	sshll.u32 s0, $0xA;
	s2 =	sadd.s32 s3, s2  }
0x8d: {  	s2 =	sadd.s32 s2, s17  }
0x8e: {  	[smem:$0x3FC4] =	sst s2  }
0x8f: {  	_ = 	snop  }
0x90: {  	s2 =	sld [smem:$0x3FD0];
	(tm) =	ssettm $0x1  }
0x91: {  	s18 =	sld [smem:$0x3FFB];
	_ =	sdelay $0x3  }
0x92: {  	_ =	strace s18  }
0x93: {  	s3 =	sld [smem:$0x3FFC];
	_ =	sdelay $0x3  }
0x94: {  	_ =	strace s3  }
0x95: {  	s3 =	sld [smem:$0x3FFD];
	_ =	sdelay $0x3  }
0x96: {  	_ =	strace s3  }
0x97: {  	_ =	strace $0x8FFFFFFF  }
0x98: {  	s19 =	sld [smem:$0x3FDB];
	_ =	sdelay $0x1  }
0x99: {  	s4 =	simm.s32 $_scs_section_size  }
0x9a: {  	s5 =	simm.s32 $_size__tile_overlayer_lowered;
	s6 =	simm.s32 $_tile_overlayer_lowered  }
0x9b: {  	s22 =	simm.s32 $0x1BFF;
	s21 =	sshll.u32 s6, $0x1;
	s3 =	sadd.s32 s4, s19  }
0x9c: {  	s7 =	simm.s32 $0x0;
	s20 =	sshll.u32 s5, $0x1;
	s5 =	sadd.s32 s21, s3  }
0x9d: {  	[timem:s7], [sflag:s22] =	dma.local [hbm:s5], s20  }
0x9e: {  	_ =	swait.ge [sflag:s22], s20  }
0x9f: {  	s4 =	ssub.s32 $0x0, s20;
	[sflag:s22] =	ssyncset.done $0x0  }
0xa0: {  	[sflag:s22] =	ssyncadd.s32 s4;
	_ =	sdelay $0x1  }
0xa1: {  	s23 =	simm.s32 $0x1B8B  }
0xa2: {  	_ =	swait.ge [sflag:s23], $0x1  }
0xa3: {  	[sflag:s23] =	ssyncset.done $0x0  }
0xa4: {  	s25 =	simm.s32 $0x1B8E;
	s24 =	sld [smem:$0x3FFE];
	[sflag:s23] =	ssyncadd.s32 $0xFFFFFFFF  }
0xa5: {  	s26 =	simm.s32 $execute0_lowered;
	[smem:$0x3FD2] =	sst s25  }
0xa6: {  	s5 =	sshll.u32 s26, $0x1;
	_ =	strace $0x80000049;
	[dreg:$0x1] =	wrdreg $0xFFFFFFFF  }
0xa7: {  	s28 =	simm.s32 $_size_execute0_lowered;
	s3 =	sadd.s32 s3, s5;
	[dreg:$0x0] =	wrdreg $0x0  }
0xa8: {  	s5 =	sshll.u32 s28, $0x1;
	[dreg:$0x2] =	wrdreg s3  }
0xa9: {  	[dreg:$0x3] =	wrdreg s5  }
0xaa: {  	[dreg:$0x4] =	wrdreg $0xC0  }
0xab: {  	_ =	task [dreg:s7], $0x5FFFF  }
0xac: {  	[dreg:$0x1] =	wrdreg $0xFFFFFFFF  }
0xad: {  	[dreg:$0x0] =	wrdreg $0x60  }
0xae: {  	[dreg:$0x2] =	wrdreg s24  }
0xaf: {  	[dreg:$0x3] =	wrdreg s2  }
0xb0: {  	[dreg:$0x4] =	wrdreg $0x90000  }
0xb1: {  	[dreg:$0x5] =	wrdreg $0x9  }
0xb2: {  	_ =	task.clear_ibuf [dreg:s7], $0x6FFFF;
	_ =	strace $0x90000049  }
0xb3: {  	s29 =	simm.s32 $0x9;
	_ =	strace $0x8000004B  }
0xb4: {  	_ =	swait.ge [sflag:s29], $0x1  }
0xb5: {  	[sflag:s29] =	ssyncadd.s32 $0xFFFFFFFF  }
0xb6: {  	_ =	strace $0x9000004B  }
0xb7: {  	_ =	sfence  }
0xb8: {  	s30 =	sld [smem:$0x0];
	_ =	sdelay $0x2  }
0xb9: {  	s31 =	sshll.u32 s1, $0xD;
	s1 =	sshrl.u32 s1, $0x2  }
0xba: {  	s3 =	sand.u32 $0x4000, s31;
	s1 =	sadd.s32 s1, s30  }
0xbb: {  	s0 =	sor.u32 s3, s0;
	s1 =	sshll.u32 s1, $0x11  }
0xbc: {  	s0 =	sor.u32 s1, s0  }
0xbd: {  	s0 =	sadd.s32 $0x8F2B, s0  }
0xbe: {  	[sflag:s0] =	ssyncadd.remote.s32 $0x1  }
0xbf: {  	_ =	sfence.sel $0xFFFF  }
0xc0: {  	[dreg:$0x0] =	wrdreg $0xFFFFFFFF;
	(pc) =	sbr.abs _section_cstart, $3  }
0xc1: {  	[dreg:$0x1] =	wrdreg $0xFFFFFFFF  }
0xc2: {  	_ =	task.clear_ibuf [dreg:s7], $0x2FFFF;
	_ =	strace $0x9FFFFFFF  }
0xc3: {  	(tm) =	ssettm $0x7FFFFFFF  }
tec
execute0_lowered:
.L_overlay_start_1:
0x0: {  	(tag) =	ssettag $0x1  }
0x1: {  	s6 =	rddreg [dreg:$0x0]  }
0x2: {  	s7 =	rddreg [dreg:$0x1];
	s0 =	stileid.u32  }
0x3: {  	s1 =	srdreg.scid;
	s2 =	rddreg [dreg:$0x2];
	s3 =	simm.s32 $0x0  }
0x4: {  	s14 =	simm.s32 $0x80;
	s15 =	simm.s32 $0x5000;
	s16 =	simm.s32 $0x1  }
0x5: {  	s8 =	smul.u32 $0x2800, s0;
	s5 =	sand.u32 $0x1, s1;
	s1 =	rddreg [dreg:$0x3]  }
0x6: {  	s17 =	simm.s32 $0x0;
	[smem:$0x7FF] =	sst s3;
	s10 =	smul.u32 $0x13C00, s0  }
0x7: {  	s4 =	sadd.s32 $0x5800, s6;
	s26 =	smul.u32 $0x4F000, s0;
	s31 =	sshll.u32 s0, $0x6  }
0x8: {  	s9 =	smul.u32 $0x13C000, s5;
	_ =	strace $0x8000004A;
	s12 =	ssub.s32 $0x2, s5  }
0x9: {  	s13 =	smul.u32 $0x28000, s5;
	s5 =	sadd.s32 $0x53A00, s6;
	s11 =	sshrl.u32 s8, $0x3  }
0xa: {  	s28 =	sshrl.u32 s12, $0x1;
	s29 =	sshrl.u32 s26, $0x2;
	s11 =	sadd.s32 s11, s6  }
0xb: {  	s9 =	sadd.s32 s10, s9;
	s12 =	ssub.s32 s12, s28;
	s8 =	sadd.s32 s8, s13  }
0xc: {  	s30 =	sadd.s32 s29, s2;
	s13 =	simm.s32 $0x2800;
	s9 =	sshrl.u32 s9, $0x3  }
0xd: {  	s8 =	sshrl.u32 s8, $0x3;
	s10 =	smax.u32 s12, $0x1;
	s12 =	simm.s32 $0x2  }
0xe: {  	s9 =	sadd.s32 s9, s6;
	s6 =	sor.u32 $0x1C02, s31;
	s7 =	sadd.s32 s7, s8  }
0xf: {  	s8 =	sadd.s32 $0x800, s11;
	s11 =	sshrl.u32 s30, $0x3;
	s9 =	sadd.s32 $0x56200, s9  }
.LBB2_1:
0x10: {  	[spmem:s11], [sflag:s6] =	dma.local [hbm:s5], $0x2780  }
0x11: {  	_ =	swait.ge [sflag:s12], $0x2780  }
0x12: {  	[sflag:s12] =	ssyncset.done $0x0  }
0x13: {  	[sflag:s12] =	ssyncadd.s32 $0xFFFFD880  }
0x14: {  	[tilespmem:s3], [sflag:$0x2] =	stream.linear.gather [hbm4b:s7+s3], $0x2800, $0x38;
	[tilespmem:$0x1CC00] =	vst v63  }
0x15: {  	_ =	swait.ge [sflag:s12], $0x2800  }
0x16: {  	[sflag:s12] =	ssyncset.done $0x0  }
0x17: {  	[sflag:s12] =	ssyncadd.s32 $0xFFFFD800  }
0x18: {  	[tilespmem:s13], [sflag:$0x2] =	stream.linear.gather [hbm4b:s8+s3], $0x2800, $0x38;
	[tilespmem:$0x1CC00] =	vst v63  }
0x19: {  	_ =	swait.ge [sflag:s12], $0x2800  }
0x1a: {  	[sflag:s12] =	ssyncset.done $0x0  }
0x1b: {  	[sflag:s12] =	ssyncadd.s32 $0xFFFFD800  }
0x1c: {  	s18 =	simm.s32 $0x0;
	[bflag:$0x0] =	sbarrier.arrive $0xFFFF  }
0x1d: {  	[tilespmem:s15], [sflag:$0x1] =	stream.indirect.gather [hbm4b:s4+s14], $0x80, s18, s14, $0xb8;
	[tilespmem:$0x1CC00] =	vst v63  }
0x1e: {  	_ =	swait.ge [sflag:s16], $0x4000  }
0x1f: {  	[sflag:s16] =	ssyncset.done $0x0  }
0x20: {  	s31 =	simm.s32 $0x2800;
	[sflag:s16] =	ssyncadd.s32 $0xFFFFC000  }
0x21: {  	[spmem:s2] =	stream.indirect.scatter.add.f32 [tilespmem:s15], [sflag:$0x2], $0x80, s31, s14, $0xb8;
	[tilespmem:$0x1CC00] =	vst v63  }
0x22: {  	_ =	swait.ge [sflag:s12], $0x4000  }
0x23: {  	s19 =	simm.s32 $0x400;
	s18 =	simm.s32 $0x200;
	[sflag:s12] =	ssyncset.done $0x0  }
.LBB2_2:
0x24: {  	s20 =	sshra.s32 s18, $0x2  }
0x25: {  	[sflag:s12] =	ssyncadd.s32 $0xFFFFC000;
	s18 =	smov.u32 s19;
	s21 =	sadd.s32 $0x200, s19  }
0x26: {  	[tilespmem:s15], [sflag:$0x1] =	stream.indirect.gather [hbm4b:s4+s14], $0x80, s20, s14, $0xb8;
	[tilespmem:$0x1CC00] =	vst v63  }
0x27: {  	p0 =	sne.s32 s19, $0x9E00;
	_ =	swait.ge [sflag:s16], $0x4000  }
.Ltmp0:
0x28: {  	[sflag:s16] =	ssyncset.done $0x0;
	(pc) =	sbr.rel @p0 .LBB2_2-.Ltmp0, $4  }
0x29: {  	s19 =	sadd.s32 $0x2800, s20;
	[sflag:s16] =	ssyncadd.s32 $0xFFFFC000  }
0x2a: {  	[spmem:s2] =	stream.indirect.scatter.add.f32 [tilespmem:s15], [sflag:$0x2], $0x80, s19, s14, $0xb8;
	[tilespmem:$0x1CC00] =	vst v63  }
0x2b: {  	_ =	swait.ge [sflag:s12], $0x4000  }
0x2c: {  	s19 =	smov.u32 s21;
	[sflag:s12] =	ssyncset.done $0x0  }
0x2d: {  	s18 =	sshra.s32 s18, $0x2;
	[sflag:s12] =	ssyncadd.s32 $0xFFFFC000  }
0x2e: {  	[tilespmem:s15], [sflag:$0x1] =	stream.indirect.gather [hbm4b:s4+s14], $0x80, s18, s14, $0xb8;
	[tilespmem:$0x1CC00] =	vst v63  }
0x2f: {  	_ =	swait.ge [sflag:s16], $0x4000  }
0x30: {  	[sflag:s16] =	ssyncset.done $0x0  }
0x31: {  	s18 =	sadd.s32 $0x2800, s18;
	[sflag:s16] =	ssyncadd.s32 $0xFFFFC000  }
0x32: {  	[spmem:s2] =	stream.indirect.scatter.add.f32 [tilespmem:s15], [sflag:$0x2], $0x80, s18, s14, $0xb8;
	[tilespmem:$0x1CC00] =	vst v63  }
0x33: {  	_ =	swait.ge [sflag:s12], $0x4000  }
0x34: {  	s17 =	sadd.s32 $0x1, s17;
	[sflag:s12] =	ssyncset.done $0x0  }
0x35: {  	p0 =	sne.s32 s17, s10;
	[sflag:s12] =	ssyncadd.s32 $0xFFFFC000  }
.Ltmp1:
0x36: {  	[bflag:$0x0] =	sbarrier.arrive $0xFFFF;
	(pc) =	sbr.rel @p0 .LBB2_1-.Ltmp1, $4  }
0x37: {  	[hbm:s9], [sflag:s6] =	dma.local [spmem:s11], $0x2780  }
0x38: {  	_ =	swait.ge [sflag:s12], $0x2780  }
0x39: {  	[sflag:s12] =	ssyncset.done $0x0  }
0x3a: {  	[sflag:s12] =	ssyncadd.s32 $0xFFFFD880  }
0x3b: {  	_ =	sfence.sel $0x180000  }
0x3c: {  	[bflag:$0x0] =	sbarrier.arrive $0xFFFF  }
0x3d: {  	p0 =	sne.s32 s0, $0x0;
	_ =	strace $0x9000004A  }
0x3e: {  	s0 =	sadd.s32 @!p0 $0x100000, s1;
	[bflag:$0x2] =	sbarrier.arrive $0xFFFF  }
0x3f: {  	[sflag:s0] =	ssyncadd.tile.s32 @!p0 $0x1;
	_ =	shalt  }
.Lfunc_end2:
_tile_overlayer_lowered:
.L_overlay_start_2:
0x40: {  	(tag) =	ssettag $0x2  }
0x41: {  	s0 =	rddreg [dreg:$0x0];
	s2 =	stileid.u32  }
0x42: {  	s1 =	rddreg [dreg:$0x1];
	p0 =	sne.s32 s2, $0x0  }
0x43: {  	s3 =	rddreg [dreg:$0x2];
	[bflag:$0x3] =	sbarrier.arrive $0xFFFF;
	s2 =	simm.s32 @!p0 $0x1C02  }
0x44: {  	[timem:s3], [sflag:s2] =	dma.local @!p0 [hbm:s0], s1  }
0x45: {  	s0 =	simm.s32 @!p0 $0x2  }
0x46: {  	_ =	swait.ge @!p0 [sflag:s0], s1  }
0x47: {  	s1 =	ssub.s32 @!p0 $0x0, s1;
	[sflag:s0] =	ssyncset.done @!p0 $0x0  }
0x48: {  	[sflag:s0] =	ssyncadd.s32 @!p0 s1  }
0x49: {  	[bflag:$0x3] =	sbarrier.arrive $0xFFFF  }
0x4a: {  	_ =	shalt  }

</sc_bundles>
